<compile_context>
chip_gen: v7x
topology: tpu7x:2x2x1
jax: 0.10.2.dev20260603
libtpu: 0.0.44.dev20260713+nightly
codegen_flags: <defaults>
</compile_context>

<pallas_src>
import functools

import jax
import jax.numpy as jnp
from jax import lax
from jax.experimental import pallas as pl
from jax.experimental.pallas import tpu as pltpu
from jax.experimental.pallas import tpu_sc as plsc

B_ = 64
NIMG = 192
C_ = 96
HW = 256
NCOMP = 512
D = C_ * HW

NB = 32

_GW = 24
_NCHUNK = 48
_CR = 4


def _sc_gather(table, idx_pad, nchunk):
    mesh = plsc.VectorSubcoreMesh(core_axis_name="c", subcore_axis_name="s")

    @functools.partial(
        pl.kernel,
        mesh=mesh,
        out_type=jax.ShapeDtypeStruct((nchunk * _CR, C_, HW), jnp.float32),
        scratch_types=[
            pltpu.VMEM((_CR,), jnp.int32),
            pltpu.VMEM((_CR, C_, HW), jnp.float32),
            pltpu.SemaphoreType.DMA,
        ],
    )
    def k(table_hbm, idx_hbm, out_hbm, idx_v, rows_v, sem):
        wid = lax.axis_index("s") * 2 + lax.axis_index("c")
        npw = nchunk // _GW

        @pl.when(wid < _GW)
        def _():
            for h in range(npw):
                j = wid * npw + h
                pltpu.sync_copy(idx_hbm.at[pl.ds(8 * j, _CR)], idx_v)
                pltpu.async_copy(table_hbm.at[idx_v], rows_v, sem).wait()
                pltpu.sync_copy(rows_v, out_hbm.at[pl.ds(_CR * j, _CR)])

    return k(table, idx_pad)


CP = 128


def _shift_rows(a, s):
    if s == 0:
        return a
    n, _, c = a.shape
    if s > 0:
        pad = jnp.zeros((n, s, c), a.dtype)
        return jnp.concatenate([a[:, s:, :], pad], axis=1)
    pad = jnp.zeros((n, -s, c), a.dtype)
    return jnp.concatenate([pad, a[:, :HW + s, :]], axis=1)


def _conv_body(g_ref, x_ref, w_ref, b_ref, o_ref, tbuf):
    nb = g_ref.shape[0]
    a = jnp.transpose(g_ref[...], (0, 2, 1))
    a = jnp.concatenate(
        [a, jnp.zeros((nb, HW, CP - C_), jnp.float32)], axis=2)
    ww = lax.broadcasted_iota(jnp.int32, (1, HW, 1), 1) % 16
    @pl.when(pl.program_id(0) == 0)
    def _():
        tbuf[:, 0:16, :] = jnp.zeros((nb, 16, 3 * CP), jnp.bfloat16)
        tbuf[:, HW + 16:HW + 32, :] = jnp.zeros((nb, 16, 3 * CP),
                                                jnp.bfloat16)
    for l in range(3):
        ab = jnp.maximum(a, 0.0).astype(jnp.bfloat16)
        for kx in range(3):
            m = (ww + (kx - 1) >= 0) & (ww + (kx - 1) < 16)
            tbuf[:, 16:HW + 16, kx * CP:(kx + 1) * CP] = jnp.where(
                m, _shift_rows(ab, kx - 1), jnp.bfloat16(0.0))
        acc = b_ref[l][None, None, :]
        for ky in range(3):
            tb = tbuf[:, 16 * ky:16 * ky + HW, :]
            acc = acc + jnp.dot(
                tb.reshape(nb * HW, 3 * CP), w_ref[l, ky],
                preferred_element_type=jnp.float32).reshape(nb, HW, CP)
        a = acc
    acc = jnp.transpose(a, (0, 2, 1))
    o_ref[...] = x_ref[...] + acc[:, :C_, :]


def _conv_call(g, xr, wt, bs):
    grid = (NIMG // NB,)
    return pl.pallas_call(
        _conv_body,
        grid=grid,
        in_specs=[
            pl.BlockSpec((NB, C_, HW), lambda i: (i, 0, 0)),
            pl.BlockSpec((NB, C_, HW), lambda i: (i, 0, 0)),
            pl.BlockSpec((3, 3, 3 * CP, CP), lambda i: (0, 0, 0, 0)),
            pl.BlockSpec((3, CP), lambda i: (0, 0)),
        ],
        out_specs=pl.BlockSpec((NB, C_, HW), lambda i: (i, 0, 0)),
        out_shape=jax.ShapeDtypeStruct((NIMG, C_, HW), jnp.float32),
        scratch_shapes=[pltpu.VMEM((NB, HW + 32, 3 * CP), jnp.bfloat16)],
        compiler_params=pltpu.CompilerParams(
            dimension_semantics=("parallel",)),
    )(g, xr, wt, bs)


def kernel(x, comp_addrs, bias, W1, b1, W2, b2, W3, b3):
    addrs = comp_addrs.reshape(NIMG).astype(jnp.int32)
    addrs_p = jnp.pad(addrs.reshape(_NCHUNK, _CR),
                      ((0, 0), (0, 8 - _CR))).reshape(_NCHUNK * 8)
    g = _sc_gather(bias.reshape(NCOMP, C_, HW), addrs_p, _NCHUNK)
    wt = jnp.stack([W1, W2, W3]).transpose(0, 3, 4, 2, 1)
    wt = jnp.pad(wt, ((0, 0), (0, 0), (0, 0), (0, CP - C_), (0, CP - C_)))
    wt = wt.reshape(3, 3, 3 * CP, CP).astype(jnp.bfloat16)
    bs = jnp.pad(jnp.stack([b1, b2, b3]), ((0, 0), (0, CP - C_)))
    yt = _conv_call(g, x.reshape(NIMG, C_, HW), wt, bs)
    return yt.reshape(B_, 3, C_, 16, 16)

# --- scband reference (transcript-rebuilt; emitter-appended) ---
"""Pipeline reference for scband-memory-5669356835754 (READ-ONLY COPY).

The authoritative reference and input builder live on the scoring server;
editing this copy changes nothing except your own understanding.
"""

import jax, jax.numpy as jnp
import numpy as np

B = 64
N_COMPS = 512
C, H, W = 96, 16, 16


def _conv3x3(x, w, b):
    # x: [N, C, H, W], w: [C_out, C_in, 3, 3], zero pad 1 -> same spatial size
    y = jax.lax.conv_general_dilated(
        x, w,
        window_strides=(1, 1),
        padding=((1, 1), (1, 1)),
        dimension_numbers=('NCHW', 'OIHW', 'NCHW'))
    return y + b[None, :, None, None]


def _conv_block(x, w, b):
    # Pre-activate conv block: norm='none' (Identity), activ='relu', zero pad, conv3x3
    x = jax.nn.relu(x)
    return _conv3x3(x, w, b)


def setup_inputs(seed: int = 0) -> dict:
    key = jax.random.key(seed)
    ks = jax.random.split(key, 10)
    x = jax.random.normal(ks[0], (B, 3, C, H, W), dtype=jnp.float32)
    comp_addrs = jax.random.randint(ks[1], (B, 3), 0, N_COMPS, dtype=jnp.int64 if jax.config.jax_enable_x64 else jnp.int32)
    # Persistent memory bias table (nn.Parameter torch.randn(n_comps, *mem_shape))
    bias = jax.random.normal(ks[2], (N_COMPS, C, H, W), dtype=jnp.float32)
    # Hypernet: 3 ConvBlocks C->C, kernel 3, pad 1
    W1 = jax.random.normal(ks[3], (C, C, 3, 3), dtype=jnp.float32) * 0.05
    b1 = jnp.zeros((C,), dtype=jnp.float32)
    W2 = jax.random.normal(ks[4], (C, C, 3, 3), dtype=jnp.float32) * 0.05
    b2 = jnp.zeros((C,), dtype=jnp.float32)
    W3 = jax.random.normal(ks[5], (C, C, 3, 3), dtype=jnp.float32) * 0.05
    b3 = jnp.zeros((C,), dtype=jnp.float32)
    return {"x": x, "comp_addrs": comp_addrs, "bias": bias,
            "W1": W1, "b1": b1, "W2": W2, "b2": b2, "W3": W3, "b3": b3}


def reference(x, comp_addrs, bias, W1, b1, W2, b2, W3, b3):
    # PersistentMemory.forward(x, comp_addrs)
    # read: gather bias rows by component address -> [B, 3, C, H, W]
    b = jnp.take(bias, comp_addrs, axis=0)
    Bsz = b.shape[0]
    # flatten(0, 1) -> [B*3, C, H, W]
    bf = b.reshape(Bsz * 3, C, H, W)
    # hypernet: 3 pre-activated conv blocks
    bf = _conv_block(bf, W1, b1)
    bf = _conv_block(bf, W2, b2)
    bf = _conv_block(bf, W3, b3)
    # split_dim(b, 0, B) -> [B, 3, C, H, W]
    b = bf.reshape(Bsz, 3, C, H, W)
    return x + b

if __name__ == "__main__":
    import jax
    _d = setup_inputs()
    print(jax.jit(kernel)(*tuple(_d.values())))

</pallas_src>

<mosaic_0001>
#map = affine_map<(d0, d1) -> (0, 0, 0)>
#map1 = affine_map<(d0, d1) -> (0)>
module attributes {stable_mosaic.version = 14 : i64} {
  func.func @k(%arg0: i32, %arg1: i32, %arg2: memref<512x96x256xf32, #tpu.memory_space<hbm>>, %arg3: memref<384xi32, #tpu.memory_space<hbm>>, %arg4: memref<192x96x256xf32, #tpu.memory_space<hbm>>, %arg5: memref<4xi32, #tpu.memory_space<vmem>>, %arg6: memref<4x96x256xf32, #tpu.memory_space<vmem>>, %arg7: memref<!tpu.dma_semaphore, #tpu.memory_space<semaphore_mem>>) attributes {dimension_semantics = [#tpu.dimension_semantics<core_parallel>, #tpu.dimension_semantics<subcore_parallel>], iteration_bounds = array<i64: 2, 16>, scalar_prefetch = 0 : i64, scratch_operands = 3 : i64, tpu.core_type = #tpu.core_type<sc_vector_subcore>, window_params = [{transform_indices = #map}, {transform_indices = #map1}, {transform_indices = #map}]} {
    %mul3A = arith.constant 2 : i32
    %mul3A_0 = arith.muli %arg1, %mul3A : i32
    %add3A = arith.addi %mul3A_0, %arg0 : i32
    %lt3A = arith.constant 24 : i32
    %lt3A_1 = arith.cmpi slt, %add3A, %lt3A : i32
    %convert_element_type3A = arith.extui %lt3A_1 : i1 to i32
    %cond3A = arith.constant 0 : i32
    %cond3A_2 = arith.cmpi ne, %convert_element_type3A, %cond3A : i32
    scf.if %cond3A_2 {
      %mul3A_3 = arith.constant 2 : i32
      %mul3A_4 = arith.muli %add3A, %mul3A_3 : i32
      %add3A_5 = arith.constant 0 : i32
      %add3A_6 = arith.addi %mul3A_4, %add3A_5 : i32
      %mul3A_7 = arith.constant 8 : i32
      %mul3A_8 = arith.muli %mul3A_7, %add3A_6 : i32
      "tpu.region"() ({
        %run_scoped3A = tpu.sem_alloc : memref<!tpu.dma_semaphore, #tpu.memory_space<semaphore_mem>>
        %dma_start3A_33 = tpu.memref_slice %arg3[%mul3A_8] : memref<384xi32, #tpu.memory_space<hbm>> -> memref<4xi32, #tpu.memory_space<hbm>>
        %dma_start3A_34 = tpu.memref_slice %arg3[%mul3A_8] : memref<384xi32, #tpu.memory_space<hbm>> -> memref<4xi32, #tpu.memory_space<hbm>>
        tpu.enqueue_dma source(%dma_start3A_34 : memref<4xi32, #tpu.memory_space<hbm>>) target(%arg5 : memref<4xi32, #tpu.memory_space<vmem>>) target_semaphore(%run_scoped3A : memref<!tpu.dma_semaphore, #tpu.memory_space<semaphore_mem>>)
        %dma_wait3A_35 = tpu.memref_slice %arg3[%mul3A_8] : memref<384xi32, #tpu.memory_space<hbm>> -> memref<4xi32, #tpu.memory_space<hbm>>
        %dma_wait3A_36 = tpu.memref_slice %arg3[%mul3A_8] : memref<384xi32, #tpu.memory_space<hbm>> -> memref<4xi32, #tpu.memory_space<hbm>>
        tpu.wait_dma2 semaphore(%run_scoped3A : memref<!tpu.dma_semaphore, #tpu.memory_space<semaphore_mem>>) src(%dma_wait3A_36 : memref<4xi32, #tpu.memory_space<hbm>>) dst(%arg5 : memref<4xi32, #tpu.memory_space<vmem>>)
        tpu.yield
      }) : () -> ()
      %dma_start3A = arith.constant 0 : i32
      %dma_start3A_9 = arith.constant 0 : i32
      %dma_start3A_10 = arith.constant 0 : i32
      %dma_start3A_11 = tpu.memref_slice %arg2[%dma_start3A, %dma_start3A_9, %dma_start3A_10] : memref<512x96x256xf32, #tpu.memory_space<hbm>> -> memref<512x96x256xf32, #tpu.memory_space<hbm>>
      tpu.enqueue_indirect_dma source(%dma_start3A_11 : memref<512x96x256xf32, #tpu.memory_space<hbm>>) target(%arg6 : memref<4x96x256xf32, #tpu.memory_space<vmem>>) offsets(%arg5 : memref<4xi32, #tpu.memory_space<vmem>>) semaphore(%arg7 : memref<!tpu.dma_semaphore, #tpu.memory_space<semaphore_mem>>)
      %dma_wait3A = arith.constant 0 : i32
      %dma_wait3A_12 = arith.constant 0 : i32
      %dma_wait3A_13 = arith.constant 0 : i32
      %dma_wait3A_14 = tpu.memref_slice %arg2[%dma_wait3A, %dma_wait3A_12, %dma_wait3A_13] : memref<512x96x256xf32, #tpu.memory_space<hbm>> -> memref<512x96x256xf32, #tpu.memory_space<hbm>>
      tpu.wait_indirect_dma semaphore(%arg7 : memref<!tpu.dma_semaphore, #tpu.memory_space<semaphore_mem>>) src(%dma_wait3A_14 : memref<512x96x256xf32, #tpu.memory_space<hbm>>) dst(%arg6 : memref<4x96x256xf32, #tpu.memory_space<vmem>>)
      %mul3A_15 = arith.constant 4 : i32
      %mul3A_16 = arith.muli %mul3A_15, %add3A_6 : i32
      "tpu.region"() ({
        %run_scoped3A = tpu.sem_alloc : memref<!tpu.dma_semaphore, #tpu.memory_space<semaphore_mem>>
        %dma_start3A_33 = arith.constant 0 : i32
        %dma_start3A_34 = arith.constant 0 : i32
        %dma_start3A_35 = tpu.memref_slice %arg4[%mul3A_16, %dma_start3A_33, %dma_start3A_34] : memref<192x96x256xf32, #tpu.memory_space<hbm>> -> memref<4x96x256xf32, #tpu.memory_space<hbm>>
        %dma_start3A_36 = arith.constant 0 : i32
        %dma_start3A_37 = arith.constant 0 : i32
        %dma_start3A_38 = tpu.memref_slice %arg4[%mul3A_16, %dma_start3A_36, %dma_start3A_37] : memref<192x96x256xf32, #tpu.memory_space<hbm>> -> memref<4x96x256xf32, #tpu.memory_space<hbm>>
        tpu.enqueue_dma source(%arg6 : memref<4x96x256xf32, #tpu.memory_space<vmem>>) target(%dma_start3A_38 : memref<4x96x256xf32, #tpu.memory_space<hbm>>) target_semaphore(%run_scoped3A : memref<!tpu.dma_semaphore, #tpu.memory_space<semaphore_mem>>)
        %dma_wait3A_39 = arith.constant 0 : i32
        %dma_wait3A_40 = arith.constant 0 : i32
        %dma_wait3A_41 = tpu.memref_slice %arg4[%mul3A_16, %dma_wait3A_39, %dma_wait3A_40] : memref<192x96x256xf32, #tpu.memory_space<hbm>> -> memref<4x96x256xf32, #tpu.memory_space<hbm>>
        %dma_wait3A_42 = arith.constant 0 : i32
        %dma_wait3A_43 = arith.constant 0 : i32
        %dma_wait3A_44 = tpu.memref_slice %arg4[%mul3A_16, %dma_wait3A_42, %dma_wait3A_43] : memref<192x96x256xf32, #tpu.memory_space<hbm>> -> memref<4x96x256xf32, #tpu.memory_space<hbm>>
        tpu.wait_dma2 semaphore(%run_scoped3A : memref<!tpu.dma_semaphore, #tpu.memory_space<semaphore_mem>>) src(%arg6 : memref<4x96x256xf32, #tpu.memory_space<vmem>>) dst(%dma_wait3A_44 : memref<4x96x256xf32, #tpu.memory_space<hbm>>)
        tpu.yield
      }) : () -> ()
      %mul3A_17 = arith.constant 2 : i32
      %mul3A_18 = arith.muli %add3A, %mul3A_17 : i32
      %add3A_19 = arith.constant 1 : i32
      %add3A_20 = arith.addi %mul3A_18, %add3A_19 : i32
      %mul3A_21 = arith.constant 8 : i32
      %mul3A_22 = arith.muli %mul3A_21, %add3A_20 : i32
      "tpu.region"() ({
        %run_scoped3A = tpu.sem_alloc : memref<!tpu.dma_semaphore, #tpu.memory_space<semaphore_mem>>
        %dma_start3A_33 = tpu.memref_slice %arg3[%mul3A_22] : memref<384xi32, #tpu.memory_space<hbm>> -> memref<4xi32, #tpu.memory_space<hbm>>
        %dma_start3A_34 = tpu.memref_slice %arg3[%mul3A_22] : memref<384xi32, #tpu.memory_space<hbm>> -> memref<4xi32, #tpu.memory_space<hbm>>
        tpu.enqueue_dma source(%dma_start3A_34 : memref<4xi32, #tpu.memory_space<hbm>>) target(%arg5 : memref<4xi32, #tpu.memory_space<vmem>>) target_semaphore(%run_scoped3A : memref<!tpu.dma_semaphore, #tpu.memory_space<semaphore_mem>>)
        %dma_wait3A_35 = tpu.memref_slice %arg3[%mul3A_22] : memref<384xi32, #tpu.memory_space<hbm>> -> memref<4xi32, #tpu.memory_space<hbm>>
        %dma_wait3A_36 = tpu.memref_slice %arg3[%mul3A_22] : memref<384xi32, #tpu.memory_space<hbm>> -> memref<4xi32, #tpu.memory_space<hbm>>
        tpu.wait_dma2 semaphore(%run_scoped3A : memref<!tpu.dma_semaphore, #tpu.memory_space<semaphore_mem>>) src(%dma_wait3A_36 : memref<4xi32, #tpu.memory_space<hbm>>) dst(%arg5 : memref<4xi32, #tpu.memory_space<vmem>>)
        tpu.yield
      }) : () -> ()
      %dma_start3A_23 = arith.constant 0 : i32
      %dma_start3A_24 = arith.constant 0 : i32
      %dma_start3A_25 = arith.constant 0 : i32
      %dma_start3A_26 = tpu.memref_slice %arg2[%dma_start3A_23, %dma_start3A_24, %dma_start3A_25] : memref<512x96x256xf32, #tpu.memory_space<hbm>> -> memref<512x96x256xf32, #tpu.memory_space<hbm>>
      tpu.enqueue_indirect_dma source(%dma_start3A_26 : memref<512x96x256xf32, #tpu.memory_space<hbm>>) target(%arg6 : memref<4x96x256xf32, #tpu.memory_space<vmem>>) offsets(%arg5 : memref<4xi32, #tpu.memory_space<vmem>>) semaphore(%arg7 : memref<!tpu.dma_semaphore, #tpu.memory_space<semaphore_mem>>)
      %dma_wait3A_27 = arith.constant 0 : i32
      %dma_wait3A_28 = arith.constant 0 : i32
      %dma_wait3A_29 = arith.constant 0 : i32
      %dma_wait3A_30 = tpu.memref_slice %arg2[%dma_wait3A_27, %dma_wait3A_28, %dma_wait3A_29] : memref<512x96x256xf32, #tpu.memory_space<hbm>> -> memref<512x96x256xf32, #tpu.memory_space<hbm>>
      tpu.wait_indirect_dma semaphore(%arg7 : memref<!tpu.dma_semaphore, #tpu.memory_space<semaphore_mem>>) src(%dma_wait3A_30 : memref<512x96x256xf32, #tpu.memory_space<hbm>>) dst(%arg6 : memref<4x96x256xf32, #tpu.memory_space<vmem>>)
      %mul3A_31 = arith.constant 4 : i32
      %mul3A_32 = arith.muli %mul3A_31, %add3A_20 : i32
      "tpu.region"() ({
        %run_scoped3A = tpu.sem_alloc : memref<!tpu.dma_semaphore, #tpu.memory_space<semaphore_mem>>
        %dma_start3A_33 = arith.constant 0 : i32
        %dma_start3A_34 = arith.constant 0 : i32
        %dma_start3A_35 = tpu.memref_slice %arg4[%mul3A_32, %dma_start3A_33, %dma_start3A_34] : memref<192x96x256xf32, #tpu.memory_space<hbm>> -> memref<4x96x256xf32, #tpu.memory_space<hbm>>
        %dma_start3A_36 = arith.constant 0 : i32
        %dma_start3A_37 = arith.constant 0 : i32
        %dma_start3A_38 = tpu.memref_slice %arg4[%mul3A_32, %dma_start3A_36, %dma_start3A_37] : memref<192x96x256xf32, #tpu.memory_space<hbm>> -> memref<4x96x256xf32, #tpu.memory_space<hbm>>
        tpu.enqueue_dma source(%arg6 : memref<4x96x256xf32, #tpu.memory_space<vmem>>) target(%dma_start3A_38 : memref<4x96x256xf32, #tpu.memory_space<hbm>>) target_semaphore(%run_scoped3A : memref<!tpu.dma_semaphore, #tpu.memory_space<semaphore_mem>>)
        %dma_wait3A_39 = arith.constant 0 : i32
        %dma_wait3A_40 = arith.constant 0 : i32
        %dma_wait3A_41 = tpu.memref_slice %arg4[%mul3A_32, %dma_wait3A_39, %dma_wait3A_40] : memref<192x96x256xf32, #tpu.memory_space<hbm>> -> memref<4x96x256xf32, #tpu.memory_space<hbm>>
        %dma_wait3A_42 = arith.constant 0 : i32
        %dma_wait3A_43 = arith.constant 0 : i32
        %dma_wait3A_44 = tpu.memref_slice %arg4[%mul3A_32, %dma_wait3A_42, %dma_wait3A_43] : memref<192x96x256xf32, #tpu.memory_space<hbm>> -> memref<4x96x256xf32, #tpu.memory_space<hbm>>
        tpu.wait_dma2 semaphore(%run_scoped3A : memref<!tpu.dma_semaphore, #tpu.memory_space<semaphore_mem>>) src(%arg6 : memref<4x96x256xf32, #tpu.memory_space<vmem>>) dst(%dma_wait3A_44 : memref<4x96x256xf32, #tpu.memory_space<hbm>>)
        tpu.yield
      }) : () -> ()
    } else {
    }
    return
  }
}

module attributes {stable_mosaic.version = 14 : i64} {
  func.func @_conv_body(%arg0: i32, %arg1: memref<32x96x256xf32, #tpu.memory_space<vmem>>, %arg2: memref<32x96x256xf32, #tpu.memory_space<vmem>>, %arg3: memref<3x3x384x128xbf16, #tpu.memory_space<vmem>>, %arg4: memref<3x128xf32, #tpu.memory_space<vmem>>, %arg5: memref<32x96x256xf32, #tpu.memory_space<vmem>>, %arg6: memref<32x288x384xbf16, #tpu.memory_space<vmem>>) attributes {dimension_semantics = [#tpu.dimension_semantics<parallel>], iteration_bounds = array<i64: 6>, scalar_prefetch = 0 : i64, scratch_operands = 1 : i64, tpu.core_type = #tpu.core_type<tc>, window_params = [{transform_indices = @transform_0, window_bounds = array<i64: 32, 96, 256>}, {transform_indices = @transform_1, window_bounds = array<i64: 32, 96, 256>}, {pipeline_mode = #tpu.pipeline_mode<synchronous>, transform_indices = @transform_2, window_bounds = array<i64: 3, 3, 384, 128>}, {pipeline_mode = #tpu.pipeline_mode<synchronous>, transform_indices = @transform_3, window_bounds = array<i64: 3, 128>}, {transform_indices = @transform_4, window_bounds = array<i64: 32, 96, 256>}]} {
    %get3A = arith.constant 0 : index
    %get3A_0 = arith.constant 0 : index
    %get3A_1 = arith.constant 0 : index
    %get3A_2 = vector.load %arg1[%get3A, %get3A_0, %get3A_1] : memref<32x96x256xf32, #tpu.memory_space<vmem>>, vector<32x96x256xf32>
    %transpose3A = tpu.transpose %get3A_2, [0, 2, 1] : vector<32x96x256xf32> -> vector<32x256x96xf32>
    %broadcast_in_dim3A = arith.constant 0.000000e+00 : f32
    %broadcast_in_dim3A_3 = vector.broadcast %broadcast_in_dim3A : f32 to vector<32x256x32xf32>
    %concatenate3A = tpu.concatenate %transpose3A, %broadcast_in_dim3A_3 in 2 : vector<32x256x96xf32>, vector<32x256x32xf32> -> vector<32x256x128xf32>
    %iota3A = tpu.iota {dimensions = array<i32: 1>} : vector<1x256x1xi32>
    %jit3A = arith.constant 16 : i32
    %eq3A = arith.constant 0 : i32
    %eq3A_4 = arith.cmpi eq, %jit3A, %eq3A : i32
    %jit3A_5 = arith.constant 1 : i32
    %select_n3A = arith.select %eq3A_4, %jit3A_5, %jit3A : i32
    %rem3A = vector.broadcast %select_n3A : i32 to vector<1x256x1xi32>
    %rem3A_6 = arith.remsi %iota3A, %rem3A : vector<1x256x1xi32>
    %ne3A = arith.constant 0 : i32
    %ne3A_7 = vector.broadcast %ne3A : i32 to vector<1x256x1xi32>
    %ne3A_8 = arith.cmpi ne, %rem3A_6, %ne3A_7 : vector<1x256x1xi32>
    %lt3A = arith.constant 0 : i32
    %lt3A_9 = vector.broadcast %lt3A : i32 to vector<1x256x1xi32>
    %lt3A_10 = arith.cmpi slt, %rem3A_6, %lt3A_9 : vector<1x256x1xi32>
    %lt3A_11 = arith.constant 0 : i32
    %lt3A_12 = arith.cmpi slt, %select_n3A, %lt3A_11 : i32
    %ne3A_13 = vector.broadcast %lt3A_12 : i1 to vector<1x256x1xi1>
    %ne3A_14 = vector.broadcast %ne3A_13 : vector<1x256x1xi1> to vector<1x256x1xi1>
    %ne3A_15 = arith.xori %lt3A_10, %ne3A_14 : vector<1x256x1xi1>
    %and3A = arith.andi %ne3A_15, %ne3A_8 : vector<1x256x1xi1>
    %add3A = vector.broadcast %select_n3A : i32 to vector<1x256x1xi32>
    %add3A_16 = arith.addi %rem3A_6, %add3A : vector<1x256x1xi32>
    %select_n3A_17 = arith.select %and3A, %add3A_16, %rem3A_6 : vector<1x256x1xi1>, vector<1x256x1xi32>
    %eq3A_18 = arith.constant 0 : i32
    %eq3A_19 = arith.cmpi eq, %arg0, %eq3A_18 : i32
    %convert_element_type3A = arith.extui %eq3A_19 : i1 to i32
    %cond3A = arith.constant 0 : i32
    %cond3A_20 = arith.cmpi ne, %convert_element_type3A, %cond3A : i32
    scf.if %cond3A_20 {
      %broadcast_in_dim3A_413 = arith.constant 0.000000e+00 : bf16
      %broadcast_in_dim3A_414 = vector.broadcast %broadcast_in_dim3A_413 : bf16 to vector<32x16x384xbf16>
      %swap3A_415 = arith.constant 0 : index
      %swap3A_416 = arith.constant 0 : index
      %swap3A_417 = arith.constant 0 : index
      %swap3A_418 = vector.load %arg6[%swap3A_415, %swap3A_416, %swap3A_417] : memref<32x288x384xbf16, #tpu.memory_space<vmem>>, vector<32x16x384xbf16>
      tpu.vector_store %arg6[%swap3A_415, %swap3A_416, %swap3A_417], %broadcast_in_dim3A_414 {strides = array<i32>} : memref<32x288x384xbf16, #tpu.memory_space<vmem>>, vector<32x16x384xbf16>,
      %broadcast_in_dim3A_419 = arith.constant 0.000000e+00 : bf16
      %broadcast_in_dim3A_420 = vector.broadcast %broadcast_in_dim3A_419 : bf16 to vector<32x16x384xbf16>
      %swap3A_421 = arith.constant 0 : index
      %swap3A_422 = arith.constant 272 : index
      %swap3A_423 = arith.constant 0 : index
      %swap3A_424 = vector.load %arg6[%swap3A_421, %swap3A_422, %swap3A_423] : memref<32x288x384xbf16, #tpu.memory_space<vmem>>, vector<32x16x384xbf16>
      tpu.vector_store %arg6[%swap3A_421, %swap3A_422, %swap3A_423], %broadcast_in_dim3A_420 {strides = array<i32>} : memref<32x288x384xbf16, #tpu.memory_space<vmem>>, vector<32x16x384xbf16>,
    } else {
    }
    %max3A = arith.constant 0.000000e+00 : f32
    %max3A_21 = vector.broadcast %max3A : f32 to vector<32x256x128xf32>
    %max3A_22 = arith.maximumf %concatenate3A, %max3A_21 : vector<32x256x128xf32>
    %convert_element_type3A_23 = arith.truncf %max3A_22 : vector<32x256x128xf32> to vector<32x256x128xbf16>
    %add3A_24 = arith.constant -1 : i32
    %add3A_25 = vector.broadcast %add3A_24 : i32 to vector<1x256x1xi32>
    %add3A_26 = arith.addi %select_n3A_17, %add3A_25 : vector<1x256x1xi32>
    %ge3A = arith.constant 0 : i32
    %ge3A_27 = vector.broadcast %ge3A : i32 to vector<1x256x1xi32>
    %ge3A_28 = arith.cmpi sge, %add3A_26, %ge3A_27 : vector<1x256x1xi32>
    %add3A_29 = arith.constant -1 : i32
    %add3A_30 = vector.broadcast %add3A_29 : i32 to vector<1x256x1xi32>
    %add3A_31 = arith.addi %select_n3A_17, %add3A_30 : vector<1x256x1xi32>
    %lt3A_32 = arith.constant 16 : i32
    %lt3A_33 = vector.broadcast %lt3A_32 : i32 to vector<1x256x1xi32>
    %lt3A_34 = arith.cmpi slt, %add3A_31, %lt3A_33 : vector<1x256x1xi32>
    %and3A_35 = arith.andi %ge3A_28, %lt3A_34 : vector<1x256x1xi1>
    %broadcast_in_dim3A_36 = arith.constant 0.000000e+00 : bf16
    %broadcast_in_dim3A_37 = vector.broadcast %broadcast_in_dim3A_36 : bf16 to vector<32x1x128xbf16>
    %slice3A = vector.extract_strided_slice %convert_element_type3A_23 {offsets = [0, 0, 0], sizes = [32, 255, 128], strides = [1, 1, 1]} : vector<32x256x128xbf16> to vector<32x255x128xbf16>
    %concatenate3A_38 = tpu.concatenate %broadcast_in_dim3A_37, %slice3A in 1 : vector<32x1x128xbf16>, vector<32x255x128xbf16> -> vector<32x256x128xbf16>
    %jit3A_39 = arith.constant 0.000000e+00 : bf16
    %broadcast_in_dim3A_40 = vector.shape_cast %and3A_35 : vector<1x256x1xi1> to vector<1x256x1xi1>
    %broadcast_in_dim3A_41 = vector.broadcast %broadcast_in_dim3A_40 : vector<1x256x1xi1> to vector<32x256x128xi1>
    %broadcast_in_dim3A_42 = vector.broadcast %jit3A_39 : bf16 to vector<32x256x128xbf16>
    %select_n3A_43 = arith.select %broadcast_in_dim3A_41, %concatenate3A_38, %broadcast_in_dim3A_42 : vector<32x256x128xi1>, vector<32x256x128xbf16>
    %swap3A = arith.constant 0 : index
    %swap3A_44 = arith.constant 16 : index
    %swap3A_45 = arith.constant 0 : index
    %swap3A_46 = vector.load %arg6[%swap3A, %swap3A_44, %swap3A_45] : memref<32x288x384xbf16, #tpu.memory_space<vmem>>, vector<32x256x128xbf16>
    tpu.vector_store %arg6[%swap3A, %swap3A_44, %swap3A_45], %select_n3A_43 {strides = array<i32>} : memref<32x288x384xbf16, #tpu.memory_space<vmem>>, vector<32x256x128xbf16>,
    %add3A_47 = arith.constant 0 : i32
    %add3A_48 = vector.broadcast %add3A_47 : i32 to vector<1x256x1xi32>
    %add3A_49 = arith.addi %select_n3A_17, %add3A_48 : vector<1x256x1xi32>
    %ge3A_50 = arith.constant 0 : i32
    %ge3A_51 = vector.broadcast %ge3A_50 : i32 to vector<1x256x1xi32>
    %ge3A_52 = arith.cmpi sge, %add3A_49, %ge3A_51 : vector<1x256x1xi32>
    %add3A_53 = arith.constant 0 : i32
    %add3A_54 = vector.broadcast %add3A_53 : i32 to vector<1x256x1xi32>
    %add3A_55 = arith.addi %select_n3A_17, %add3A_54 : vector<1x256x1xi32>
    %lt3A_56 = arith.constant 16 : i32
    %lt3A_57 = vector.broadcast %lt3A_56 : i32 to vector<1x256x1xi32>
    %lt3A_58 = arith.cmpi slt, %add3A_55, %lt3A_57 : vector<1x256x1xi32>
    %and3A_59 = arith.andi %ge3A_52, %lt3A_58 : vector<1x256x1xi1>
    %jit3A_60 = arith.constant 0.000000e+00 : bf16
    %broadcast_in_dim3A_61 = vector.shape_cast %and3A_59 : vector<1x256x1xi1> to vector<1x256x1xi1>
    %broadcast_in_dim3A_62 = vector.broadcast %broadcast_in_dim3A_61 : vector<1x256x1xi1> to vector<32x256x128xi1>
    %broadcast_in_dim3A_63 = vector.broadcast %jit3A_60 : bf16 to vector<32x256x128xbf16>
    %select_n3A_64 = arith.select %broadcast_in_dim3A_62, %convert_element_type3A_23, %broadcast_in_dim3A_63 : vector<32x256x128xi1>, vector<32x256x128xbf16>
    %swap3A_65 = arith.constant 0 : index
    %swap3A_66 = arith.constant 16 : index
    %swap3A_67 = arith.constant 128 : index
    %swap3A_68 = vector.load %arg6[%swap3A_65, %swap3A_66, %swap3A_67] : memref<32x288x384xbf16, #tpu.memory_space<vmem>>, vector<32x256x128xbf16>
    tpu.vector_store %arg6[%swap3A_65, %swap3A_66, %swap3A_67], %select_n3A_64 {strides = array<i32>} : memref<32x288x384xbf16, #tpu.memory_space<vmem>>, vector<32x256x128xbf16>,
    %add3A_69 = arith.constant 1 : i32
    %add3A_70 = vector.broadcast %add3A_69 : i32 to vector<1x256x1xi32>
    %add3A_71 = arith.addi %select_n3A_17, %add3A_70 : vector<1x256x1xi32>
    %ge3A_72 = arith.constant 0 : i32
    %ge3A_73 = vector.broadcast %ge3A_72 : i32 to vector<1x256x1xi32>
    %ge3A_74 = arith.cmpi sge, %add3A_71, %ge3A_73 : vector<1x256x1xi32>
    %add3A_75 = arith.constant 1 : i32
    %add3A_76 = vector.broadcast %add3A_75 : i32 to vector<1x256x1xi32>
    %add3A_77 = arith.addi %select_n3A_17, %add3A_76 : vector<1x256x1xi32>
    %lt3A_78 = arith.constant 16 : i32
    %lt3A_79 = vector.broadcast %lt3A_78 : i32 to vector<1x256x1xi32>
    %lt3A_80 = arith.cmpi slt, %add3A_77, %lt3A_79 : vector<1x256x1xi32>
    %and3A_81 = arith.andi %ge3A_74, %lt3A_80 : vector<1x256x1xi1>
    %broadcast_in_dim3A_82 = arith.constant 0.000000e+00 : bf16
    %broadcast_in_dim3A_83 = vector.broadcast %broadcast_in_dim3A_82 : bf16 to vector<32x1x128xbf16>
    %slice3A_84 = vector.extract_strided_slice %convert_element_type3A_23 {offsets = [0, 1, 0], sizes = [32, 255, 128], strides = [1, 1, 1]} : vector<32x256x128xbf16> to vector<32x255x128xbf16>
    %concatenate3A_85 = tpu.concatenate %slice3A_84, %broadcast_in_dim3A_83 in 1 : vector<32x255x128xbf16>, vector<32x1x128xbf16> -> vector<32x256x128xbf16>
    %jit3A_86 = arith.constant 0.000000e+00 : bf16
    %broadcast_in_dim3A_87 = vector.shape_cast %and3A_81 : vector<1x256x1xi1> to vector<1x256x1xi1>
    %broadcast_in_dim3A_88 = vector.broadcast %broadcast_in_dim3A_87 : vector<1x256x1xi1> to vector<32x256x128xi1>
    %broadcast_in_dim3A_89 = vector.broadcast %jit3A_86 : bf16 to vector<32x256x128xbf16>
    %select_n3A_90 = arith.select %broadcast_in_dim3A_88, %concatenate3A_85, %broadcast_in_dim3A_89 : vector<32x256x128xi1>, vector<32x256x128xbf16>
    %swap3A_91 = arith.constant 0 : index
    %swap3A_92 = arith.constant 16 : index
    %swap3A_93 = arith.constant 256 : index
    %swap3A_94 = vector.load %arg6[%swap3A_91, %swap3A_92, %swap3A_93] : memref<32x288x384xbf16, #tpu.memory_space<vmem>>, vector<32x256x128xbf16>
    tpu.vector_store %arg6[%swap3A_91, %swap3A_92, %swap3A_93], %select_n3A_90 {strides = array<i32>} : memref<32x288x384xbf16, #tpu.memory_space<vmem>>, vector<32x256x128xbf16>,
    %get3A_95 = arith.constant 0 : index
    %get3A_96 = arith.constant 0 : index
    %get3A_97 = vector.load %arg4[%get3A_95, %get3A_96] : memref<3x128xf32, #tpu.memory_space<vmem>>, vector<1x128xf32>
    %get3A_98 = vector.shape_cast %get3A_97 : vector<1x128xf32> to vector<128xf32>
    %broadcast_in_dim3A_99 = vector.shape_cast %get3A_98 : vector<128xf32> to vector<1x1x128xf32>
    %get3A_100 = arith.constant 0 : index
    %get3A_101 = arith.constant 0 : index
    %get3A_102 = arith.constant 0 : index
    %get3A_103 = vector.load %arg6[%get3A_100, %get3A_101, %get3A_102] : memref<32x288x384xbf16, #tpu.memory_space<vmem>>, vector<32x256x384xbf16>
    %reshape3A = vector.shape_cast %get3A_103 : vector<32x256x384xbf16> to vector<8192x384xbf16>
    %get3A_104 = arith.constant 0 : index
    %get3A_105 = arith.constant 0 : index
    %get3A_106 = arith.constant 0 : index
    %get3A_107 = arith.constant 0 : index
    %get3A_108 = vector.load %arg3[%get3A_104, %get3A_105, %get3A_106, %get3A_107] : memref<3x3x384x128xbf16, #tpu.memory_space<vmem>>, vector<1x1x384x128xbf16>
    %get3A_109 = vector.shape_cast %get3A_108 : vector<1x1x384x128xbf16> to vector<384x128xbf16>
    %dot_general3A = arith.constant dense<0.000000e+00> : vector<8192x128xf32>
    %dot_general3A_110 = tpu.matmul %reshape3A, %get3A_109, %dot_general3A {dimension_numbers = #tpu.dot_dimension_numbers<[1], [0], [0], [1], [0, 0, 1, 1], [], []>, transpose_lhs_hint = false} : vector<8192x384xbf16>, vector<384x128xbf16>, vector<8192x128xf32> -> vector<8192x128xf32>
    %reshape3A_111 = vector.shape_cast %dot_general3A_110 : vector<8192x128xf32> to vector<32x256x128xf32>
    %add3A_112 = vector.broadcast %broadcast_in_dim3A_99 : vector<1x1x128xf32> to vector<32x256x128xf32>
    %add3A_113 = arith.addf %add3A_112, %reshape3A_111 : vector<32x256x128xf32>
    %get3A_114 = arith.constant 0 : index
    %get3A_115 = arith.constant 16 : index
    %get3A_116 = arith.constant 0 : index
    %get3A_117 = vector.load %arg6[%get3A_114, %get3A_115, %get3A_116] : memref<32x288x384xbf16, #tpu.memory_space<vmem>>, vector<32x256x384xbf16>
    %reshape3A_118 = vector.shape_cast %get3A_117 : vector<32x256x384xbf16> to vector<8192x384xbf16>
    %get3A_119 = arith.constant 0 : index
    %get3A_120 = arith.constant 1 : index
    %get3A_121 = arith.constant 0 : index
    %get3A_122 = arith.constant 0 : index
    %get3A_123 = vector.load %arg3[%get3A_119, %get3A_120, %get3A_121, %get3A_122] : memref<3x3x384x128xbf16, #tpu.memory_space<vmem>>, vector<1x1x384x128xbf16>
    %get3A_124 = vector.shape_cast %get3A_123 : vector<1x1x384x128xbf16> to vector<384x128xbf16>
    %dot_general3A_125 = arith.constant dense<0.000000e+00> : vector<8192x128xf32>
    %dot_general3A_126 = tpu.matmul %reshape3A_118, %get3A_124, %dot_general3A_125 {dimension_numbers = #tpu.dot_dimension_numbers<[1], [0], [0], [1], [0, 0, 1, 1], [], []>, transpose_lhs_hint = false} : vector<8192x384xbf16>, vector<384x128xbf16>, vector<8192x128xf32> -> vector<8192x128xf32>
    %reshape3A_127 = vector.shape_cast %dot_general3A_126 : vector<8192x128xf32> to vector<32x256x128xf32>
    %add3A_128 = arith.addf %add3A_113, %reshape3A_127 : vector<32x256x128xf32>
    %get3A_129 = arith.constant 0 : index
    %get3A_130 = arith.constant 32 : index
    %get3A_131 = arith.constant 0 : index
    %get3A_132 = vector.load %arg6[%get3A_129, %get3A_130, %get3A_131] : memref<32x288x384xbf16, #tpu.memory_space<vmem>>, vector<32x256x384xbf16>
    %reshape3A_133 = vector.shape_cast %get3A_132 : vector<32x256x384xbf16> to vector<8192x384xbf16>
    %get3A_134 = arith.constant 0 : index
    %get3A_135 = arith.constant 2 : index
    %get3A_136 = arith.constant 0 : index
    %get3A_137 = arith.constant 0 : index
    %get3A_138 = vector.load %arg3[%get3A_134, %get3A_135, %get3A_136, %get3A_137] : memref<3x3x384x128xbf16, #tpu.memory_space<vmem>>, vector<1x1x384x128xbf16>
    %get3A_139 = vector.shape_cast %get3A_138 : vector<1x1x384x128xbf16> to vector<384x128xbf16>
    %dot_general3A_140 = arith.constant dense<0.000000e+00> : vector<8192x128xf32>
    %dot_general3A_141 = tpu.matmul %reshape3A_133, %get3A_139, %dot_general3A_140 {dimension_numbers = #tpu.dot_dimension_numbers<[1], [0], [0], [1], [0, 0, 1, 1], [], []>, transpose_lhs_hint = false} : vector<8192x384xbf16>, vector<384x128xbf16>, vector<8192x128xf32> -> vector<8192x128xf32>
    %reshape3A_142 = vector.shape_cast %dot_general3A_141 : vector<8192x128xf32> to vector<32x256x128xf32>
    %add3A_143 = arith.addf %add3A_128, %reshape3A_142 : vector<32x256x128xf32>
    %max3A_144 = arith.constant 0.000000e+00 : f32
    %max3A_145 = vector.broadcast %max3A_144 : f32 to vector<32x256x128xf32>
    %max3A_146 = arith.maximumf %add3A_143, %max3A_145 : vector<32x256x128xf32>
    %convert_element_type3A_147 = arith.truncf %max3A_146 : vector<32x256x128xf32> to vector<32x256x128xbf16>
    %add3A_148 = arith.constant -1 : i32
    %add3A_149 = vector.broadcast %add3A_148 : i32 to vector<1x256x1xi32>
    %add3A_150 = arith.addi %select_n3A_17, %add3A_149 : vector<1x256x1xi32>
    %ge3A_151 = arith.constant 0 : i32
    %ge3A_152 = vector.broadcast %ge3A_151 : i32 to vector<1x256x1xi32>
    %ge3A_153 = arith.cmpi sge, %add3A_150, %ge3A_152 : vector<1x256x1xi32>
    %add3A_154 = arith.constant -1 : i32
    %add3A_155 = vector.broadcast %add3A_154 : i32 to vector<1x256x1xi32>
    %add3A_156 = arith.addi %select_n3A_17, %add3A_155 : vector<1x256x1xi32>
    %lt3A_157 = arith.constant 16 : i32
    %lt3A_158 = vector.broadcast %lt3A_157 : i32 to vector<1x256x1xi32>
    %lt3A_159 = arith.cmpi slt, %add3A_156, %lt3A_158 : vector<1x256x1xi32>
    %and3A_160 = arith.andi %ge3A_153, %lt3A_159 : vector<1x256x1xi1>
    %broadcast_in_dim3A_161 = arith.constant 0.000000e+00 : bf16
    %broadcast_in_dim3A_162 = vector.broadcast %broadcast_in_dim3A_161 : bf16 to vector<32x1x128xbf16>
    %slice3A_163 = vector.extract_strided_slice %convert_element_type3A_147 {offsets = [0, 0, 0], sizes = [32, 255, 128], strides = [1, 1, 1]} : vector<32x256x128xbf16> to vector<32x255x128xbf16>
    %concatenate3A_164 = tpu.concatenate %broadcast_in_dim3A_162, %slice3A_163 in 1 : vector<32x1x128xbf16>, vector<32x255x128xbf16> -> vector<32x256x128xbf16>
    %jit3A_165 = arith.constant 0.000000e+00 : bf16
    %broadcast_in_dim3A_166 = vector.shape_cast %and3A_160 : vector<1x256x1xi1> to vector<1x256x1xi1>
    %broadcast_in_dim3A_167 = vector.broadcast %broadcast_in_dim3A_166 : vector<1x256x1xi1> to vector<32x256x128xi1>
    %broadcast_in_dim3A_168 = vector.broadcast %jit3A_165 : bf16 to vector<32x256x128xbf16>
    %select_n3A_169 = arith.select %broadcast_in_dim3A_167, %concatenate3A_164, %broadcast_in_dim3A_168 : vector<32x256x128xi1>, vector<32x256x128xbf16>
    %swap3A_170 = arith.constant 0 : index
    %swap3A_171 = arith.constant 16 : index
    %swap3A_172 = arith.constant 0 : index
    %swap3A_173 = vector.load %arg6[%swap3A_170, %swap3A_171, %swap3A_172] : memref<32x288x384xbf16, #tpu.memory_space<vmem>>, vector<32x256x128xbf16>
    tpu.vector_store %arg6[%swap3A_170, %swap3A_171, %swap3A_172], %select_n3A_169 {strides = array<i32>} : memref<32x288x384xbf16, #tpu.memory_space<vmem>>, vector<32x256x128xbf16>,
    %add3A_174 = arith.constant 0 : i32
    %add3A_175 = vector.broadcast %add3A_174 : i32 to vector<1x256x1xi32>
    %add3A_176 = arith.addi %select_n3A_17, %add3A_175 : vector<1x256x1xi32>
    %ge3A_177 = arith.constant 0 : i32
    %ge3A_178 = vector.broadcast %ge3A_177 : i32 to vector<1x256x1xi32>
    %ge3A_179 = arith.cmpi sge, %add3A_176, %ge3A_178 : vector<1x256x1xi32>
    %add3A_180 = arith.constant 0 : i32
    %add3A_181 = vector.broadcast %add3A_180 : i32 to vector<1x256x1xi32>
    %add3A_182 = arith.addi %select_n3A_17, %add3A_181 : vector<1x256x1xi32>
    %lt3A_183 = arith.constant 16 : i32
    %lt3A_184 = vector.broadcast %lt3A_183 : i32 to vector<1x256x1xi32>
    %lt3A_185 = arith.cmpi slt, %add3A_182, %lt3A_184 : vector<1x256x1xi32>
    %and3A_186 = arith.andi %ge3A_179, %lt3A_185 : vector<1x256x1xi1>
    %jit3A_187 = arith.constant 0.000000e+00 : bf16
    %broadcast_in_dim3A_188 = vector.shape_cast %and3A_186 : vector<1x256x1xi1> to vector<1x256x1xi1>
    %broadcast_in_dim3A_189 = vector.broadcast %broadcast_in_dim3A_188 : vector<1x256x1xi1> to vector<32x256x128xi1>
    %broadcast_in_dim3A_190 = vector.broadcast %jit3A_187 : bf16 to vector<32x256x128xbf16>
    %select_n3A_191 = arith.select %broadcast_in_dim3A_189, %convert_element_type3A_147, %broadcast_in_dim3A_190 : vector<32x256x128xi1>, vector<32x256x128xbf16>
    %swap3A_192 = arith.constant 0 : index
    %swap3A_193 = arith.constant 16 : index
    %swap3A_194 = arith.constant 128 : index
    %swap3A_195 = vector.load %arg6[%swap3A_192, %swap3A_193, %swap3A_194] : memref<32x288x384xbf16, #tpu.memory_space<vmem>>, vector<32x256x128xbf16>
    tpu.vector_store %arg6[%swap3A_192, %swap3A_193, %swap3A_194], %select_n3A_191 {strides = array<i32>} : memref<32x288x384xbf16, #tpu.memory_space<vmem>>, vector<32x256x128xbf16>,
    %add3A_196 = arith.constant 1 : i32
    %add3A_197 = vector.broadcast %add3A_196 : i32 to vector<1x256x1xi32>
    %add3A_198 = arith.addi %select_n3A_17, %add3A_197 : vector<1x256x1xi32>
    %ge3A_199 = arith.constant 0 : i32
    %ge3A_200 = vector.broadcast %ge3A_199 : i32 to vector<1x256x1xi32>
    %ge3A_201 = arith.cmpi sge, %add3A_198, %ge3A_200 : vector<1x256x1xi32>
    %add3A_202 = arith.constant 1 : i32
    %add3A_203 = vector.broadcast %add3A_202 : i32 to vector<1x256x1xi32>
    %add3A_204 = arith.addi %select_n3A_17, %add3A_203 : vector<1x256x1xi32>
    %lt3A_205 = arith.constant 16 : i32
    %lt3A_206 = vector.broadcast %lt3A_205 : i32 to vector<1x256x1xi32>
    %lt3A_207 = arith.cmpi slt, %add3A_204, %lt3A_206 : vector<1x256x1xi32>
    %and3A_208 = arith.andi %ge3A_201, %lt3A_207 : vector<1x256x1xi1>
    %broadcast_in_dim3A_209 = arith.constant 0.000000e+00 : bf16
    %broadcast_in_dim3A_210 = vector.broadcast %broadcast_in_dim3A_209 : bf16 to vector<32x1x128xbf16>
    %slice3A_211 = vector.extract_strided_slice %convert_element_type3A_147 {offsets = [0, 1, 0], sizes = [32, 255, 128], strides = [1, 1, 1]} : vector<32x256x128xbf16> to vector<32x255x128xbf16>
    %concatenate3A_212 = tpu.concatenate %slice3A_211, %broadcast_in_dim3A_210 in 1 : vector<32x255x128xbf16>, vector<32x1x128xbf16> -> vector<32x256x128xbf16>
    %jit3A_213 = arith.constant 0.000000e+00 : bf16
    %broadcast_in_dim3A_214 = vector.shape_cast %and3A_208 : vector<1x256x1xi1> to vector<1x256x1xi1>
    %broadcast_in_dim3A_215 = vector.broadcast %broadcast_in_dim3A_214 : vector<1x256x1xi1> to vector<32x256x128xi1>
    %broadcast_in_dim3A_216 = vector.broadcast %jit3A_213 : bf16 to vector<32x256x128xbf16>
    %select_n3A_217 = arith.select %broadcast_in_dim3A_215, %concatenate3A_212, %broadcast_in_dim3A_216 : vector<32x256x128xi1>, vector<32x256x128xbf16>
    %swap3A_218 = arith.constant 0 : index
    %swap3A_219 = arith.constant 16 : index
    %swap3A_220 = arith.constant 256 : index
    %swap3A_221 = vector.load %arg6[%swap3A_218, %swap3A_219, %swap3A_220] : memref<32x288x384xbf16, #tpu.memory_space<vmem>>, vector<32x256x128xbf16>
    tpu.vector_store %arg6[%swap3A_218, %swap3A_219, %swap3A_220], %select_n3A_217 {strides = array<i32>} : memref<32x288x384xbf16, #tpu.memory_space<vmem>>, vector<32x256x128xbf16>,
    %get3A_222 = arith.constant 1 : index
    %get3A_223 = arith.constant 0 : index
    %get3A_224 = vector.load %arg4[%get3A_222, %get3A_223] : memref<3x128xf32, #tpu.memory_space<vmem>>, vector<1x128xf32>
    %get3A_225 = vector.shape_cast %get3A_224 : vector<1x128xf32> to vector<128xf32>
    %broadcast_in_dim3A_226 = vector.shape_cast %get3A_225 : vector<128xf32> to vector<1x1x128xf32>
    %get3A_227 = arith.constant 0 : index
    %get3A_228 = arith.constant 0 : index
    %get3A_229 = arith.constant 0 : index
    %get3A_230 = vector.load %arg6[%get3A_227, %get3A_228, %get3A_229] : memref<32x288x384xbf16, #tpu.memory_space<vmem>>, vector<32x256x384xbf16>
    %reshape3A_231 = vector.shape_cast %get3A_230 : vector<32x256x384xbf16> to vector<8192x384xbf16>
    %get3A_232 = arith.constant 1 : index
    %get3A_233 = arith.constant 0 : index
    %get3A_234 = arith.constant 0 : index
    %get3A_235 = arith.constant 0 : index
    %get3A_236 = vector.load %arg3[%get3A_232, %get3A_233, %get3A_234, %get3A_235] : memref<3x3x384x128xbf16, #tpu.memory_space<vmem>>, vector<1x1x384x128xbf16>
    %get3A_237 = vector.shape_cast %get3A_236 : vector<1x1x384x128xbf16> to vector<384x128xbf16>
    %dot_general3A_238 = arith.constant dense<0.000000e+00> : vector<8192x128xf32>
    %dot_general3A_239 = tpu.matmul %reshape3A_231, %get3A_237, %dot_general3A_238 {dimension_numbers = #tpu.dot_dimension_numbers<[1], [0], [0], [1], [0, 0, 1, 1], [], []>, transpose_lhs_hint = false} : vector<8192x384xbf16>, vector<384x128xbf16>, vector<8192x128xf32> -> vector<8192x128xf32>
    %reshape3A_240 = vector.shape_cast %dot_general3A_239 : vector<8192x128xf32> to vector<32x256x128xf32>
    %add3A_241 = vector.broadcast %broadcast_in_dim3A_226 : vector<1x1x128xf32> to vector<32x256x128xf32>
    %add3A_242 = arith.addf %add3A_241, %reshape3A_240 : vector<32x256x128xf32>
    %get3A_243 = arith.constant 0 : index
    %get3A_244 = arith.constant 16 : index
    %get3A_245 = arith.constant 0 : index
    %get3A_246 = vector.load %arg6[%get3A_243, %get3A_244, %get3A_245] : memref<32x288x384xbf16, #tpu.memory_space<vmem>>, vector<32x256x384xbf16>
    %reshape3A_247 = vector.shape_cast %get3A_246 : vector<32x256x384xbf16> to vector<8192x384xbf16>
    %get3A_248 = arith.constant 1 : index
    %get3A_249 = arith.constant 1 : index
    %get3A_250 = arith.constant 0 : index
    %get3A_251 = arith.constant 0 : index
    %get3A_252 = vector.load %arg3[%get3A_248, %get3A_249, %get3A_250, %get3A_251] : memref<3x3x384x128xbf16, #tpu.memory_space<vmem>>, vector<1x1x384x128xbf16>
    %get3A_253 = vector.shape_cast %get3A_252 : vector<1x1x384x128xbf16> to vector<384x128xbf16>
    %dot_general3A_254 = arith.constant dense<0.000000e+00> : vector<8192x128xf32>
    %dot_general3A_255 = tpu.matmul %reshape3A_247, %get3A_253, %dot_general3A_254 {dimension_numbers = #tpu.dot_dimension_numbers<[1], [0], [0], [1], [0, 0, 1, 1], [], []>, transpose_lhs_hint = false} : vector<8192x384xbf16>, vector<384x128xbf16>, vector<8192x128xf32> -> vector<8192x128xf32>
    %reshape3A_256 = vector.shape_cast %dot_general3A_255 : vector<8192x128xf32> to vector<32x256x128xf32>
    %add3A_257 = arith.addf %add3A_242, %reshape3A_256 : vector<32x256x128xf32>
    %get3A_258 = arith.constant 0 : index
    %get3A_259 = arith.constant 32 : index
    %get3A_260 = arith.constant 0 : index
    %get3A_261 = vector.load %arg6[%get3A_258, %get3A_259, %get3A_260] : memref<32x288x384xbf16, #tpu.memory_space<vmem>>, vector<32x256x384xbf16>
    %reshape3A_262 = vector.shape_cast %get3A_261 : vector<32x256x384xbf16> to vector<8192x384xbf16>
    %get3A_263 = arith.constant 1 : index
    %get3A_264 = arith.constant 2 : index
    %get3A_265 = arith.constant 0 : index
    %get3A_266 = arith.constant 0 : index
    %get3A_267 = vector.load %arg3[%get3A_263, %get3A_264, %get3A_265, %get3A_266] : memref<3x3x384x128xbf16, #tpu.memory_space<vmem>>, vector<1x1x384x128xbf16>
    %get3A_268 = vector.shape_cast %get3A_267 : vector<1x1x384x128xbf16> to vector<384x128xbf16>
    %dot_general3A_269 = arith.constant dense<0.000000e+00> : vector<8192x128xf32>
    %dot_general3A_270 = tpu.matmul %reshape3A_262, %get3A_268, %dot_general3A_269 {dimension_numbers = #tpu.dot_dimension_numbers<[1], [0], [0], [1], [0, 0, 1, 1], [], []>, transpose_lhs_hint = false} : vector<8192x384xbf16>, vector<384x128xbf16>, vector<8192x128xf32> -> vector<8192x128xf32>
    %reshape3A_271 = vector.shape_cast %dot_general3A_270 : vector<8192x128xf32> to vector<32x256x128xf32>
    %add3A_272 = arith.addf %add3A_257, %reshape3A_271 : vector<32x256x128xf32>
    %max3A_273 = arith.constant 0.000000e+00 : f32
    %max3A_274 = vector.broadcast %max3A_273 : f32 to vector<32x256x128xf32>
    %max3A_275 = arith.maximumf %add3A_272, %max3A_274 : vector<32x256x128xf32>
    %convert_element_type3A_276 = arith.truncf %max3A_275 : vector<32x256x128xf32> to vector<32x256x128xbf16>
    %add3A_277 = arith.constant -1 : i32
    %add3A_278 = vector.broadcast %add3A_277 : i32 to vector<1x256x1xi32>
    %add3A_279 = arith.addi %select_n3A_17, %add3A_278 : vector<1x256x1xi32>
    %ge3A_280 = arith.constant 0 : i32
    %ge3A_281 = vector.broadcast %ge3A_280 : i32 to vector<1x256x1xi32>
    %ge3A_282 = arith.cmpi sge, %add3A_279, %ge3A_281 : vector<1x256x1xi32>
    %add3A_283 = arith.constant -1 : i32
    %add3A_284 = vector.broadcast %add3A_283 : i32 to vector<1x256x1xi32>
    %add3A_285 = arith.addi %select_n3A_17, %add3A_284 : vector<1x256x1xi32>
    %lt3A_286 = arith.constant 16 : i32
    %lt3A_287 = vector.broadcast %lt3A_286 : i32 to vector<1x256x1xi32>
    %lt3A_288 = arith.cmpi slt, %add3A_285, %lt3A_287 : vector<1x256x1xi32>
    %and3A_289 = arith.andi %ge3A_282, %lt3A_288 : vector<1x256x1xi1>
    %broadcast_in_dim3A_290 = arith.constant 0.000000e+00 : bf16
    %broadcast_in_dim3A_291 = vector.broadcast %broadcast_in_dim3A_290 : bf16 to vector<32x1x128xbf16>
    %slice3A_292 = vector.extract_strided_slice %convert_element_type3A_276 {offsets = [0, 0, 0], sizes = [32, 255, 128], strides = [1, 1, 1]} : vector<32x256x128xbf16> to vector<32x255x128xbf16>
    %concatenate3A_293 = tpu.concatenate %broadcast_in_dim3A_291, %slice3A_292 in 1 : vector<32x1x128xbf16>, vector<32x255x128xbf16> -> vector<32x256x128xbf16>
    %jit3A_294 = arith.constant 0.000000e+00 : bf16
    %broadcast_in_dim3A_295 = vector.shape_cast %and3A_289 : vector<1x256x1xi1> to vector<1x256x1xi1>
    %broadcast_in_dim3A_296 = vector.broadcast %broadcast_in_dim3A_295 : vector<1x256x1xi1> to vector<32x256x128xi1>
    %broadcast_in_dim3A_297 = vector.broadcast %jit3A_294 : bf16 to vector<32x256x128xbf16>
    %select_n3A_298 = arith.select %broadcast_in_dim3A_296, %concatenate3A_293, %broadcast_in_dim3A_297 : vector<32x256x128xi1>, vector<32x256x128xbf16>
    %swap3A_299 = arith.constant 0 : index
    %swap3A_300 = arith.constant 16 : index
    %swap3A_301 = arith.constant 0 : index
    %swap3A_302 = vector.load %arg6[%swap3A_299, %swap3A_300, %swap3A_301] : memref<32x288x384xbf16, #tpu.memory_space<vmem>>, vector<32x256x128xbf16>
    tpu.vector_store %arg6[%swap3A_299, %swap3A_300, %swap3A_301], %select_n3A_298 {strides = array<i32>} : memref<32x288x384xbf16, #tpu.memory_space<vmem>>, vector<32x256x128xbf16>,
    %add3A_303 = arith.constant 0 : i32
    %add3A_304 = vector.broadcast %add3A_303 : i32 to vector<1x256x1xi32>
    %add3A_305 = arith.addi %select_n3A_17, %add3A_304 : vector<1x256x1xi32>
    %ge3A_306 = arith.constant 0 : i32
    %ge3A_307 = vector.broadcast %ge3A_306 : i32 to vector<1x256x1xi32>
    %ge3A_308 = arith.cmpi sge, %add3A_305, %ge3A_307 : vector<1x256x1xi32>
    %add3A_309 = arith.constant 0 : i32
    %add3A_310 = vector.broadcast %add3A_309 : i32 to vector<1x256x1xi32>
    %add3A_311 = arith.addi %select_n3A_17, %add3A_310 : vector<1x256x1xi32>
    %lt3A_312 = arith.constant 16 : i32
    %lt3A_313 = vector.broadcast %lt3A_312 : i32 to vector<1x256x1xi32>
    %lt3A_314 = arith.cmpi slt, %add3A_311, %lt3A_313 : vector<1x256x1xi32>
    %and3A_315 = arith.andi %ge3A_308, %lt3A_314 : vector<1x256x1xi1>
    %jit3A_316 = arith.constant 0.000000e+00 : bf16
    %broadcast_in_dim3A_317 = vector.shape_cast %and3A_315 : vector<1x256x1xi1> to vector<1x256x1xi1>
    %broadcast_in_dim3A_318 = vector.broadcast %broadcast_in_dim3A_317 : vector<1x256x1xi1> to vector<32x256x128xi1>
    %broadcast_in_dim3A_319 = vector.broadcast %jit3A_316 : bf16 to vector<32x256x128xbf16>
    %select_n3A_320 = arith.select %broadcast_in_dim3A_318, %convert_element_type3A_276, %broadcast_in_dim3A_319 : vector<32x256x128xi1>, vector<32x256x128xbf16>
    %swap3A_321 = arith.constant 0 : index
    %swap3A_322 = arith.constant 16 : index
    %swap3A_323 = arith.constant 128 : index
    %swap3A_324 = vector.load %arg6[%swap3A_321, %swap3A_322, %swap3A_323] : memref<32x288x384xbf16, #tpu.memory_space<vmem>>, vector<32x256x128xbf16>
    tpu.vector_store %arg6[%swap3A_321, %swap3A_322, %swap3A_323], %select_n3A_320 {strides = array<i32>} : memref<32x288x384xbf16, #tpu.memory_space<vmem>>, vector<32x256x128xbf16>,
    %add3A_325 = arith.constant 1 : i32
    %add3A_326 = vector.broadcast %add3A_325 : i32 to vector<1x256x1xi32>
    %add3A_327 = arith.addi %select_n3A_17, %add3A_326 : vector<1x256x1xi32>
    %ge3A_328 = arith.constant 0 : i32
    %ge3A_329 = vector.broadcast %ge3A_328 : i32 to vector<1x256x1xi32>
    %ge3A_330 = arith.cmpi sge, %add3A_327, %ge3A_329 : vector<1x256x1xi32>
    %add3A_331 = arith.constant 1 : i32
    %add3A_332 = vector.broadcast %add3A_331 : i32 to vector<1x256x1xi32>
    %add3A_333 = arith.addi %select_n3A_17, %add3A_332 : vector<1x256x1xi32>
    %lt3A_334 = arith.constant 16 : i32
    %lt3A_335 = vector.broadcast %lt3A_334 : i32 to vector<1x256x1xi32>
    %lt3A_336 = arith.cmpi slt, %add3A_333, %lt3A_335 : vector<1x256x1xi32>
    %and3A_337 = arith.andi %ge3A_330, %lt3A_336 : vector<1x256x1xi1>
    %broadcast_in_dim3A_338 = arith.constant 0.000000e+00 : bf16
    %broadcast_in_dim3A_339 = vector.broadcast %broadcast_in_dim3A_338 : bf16 to vector<32x1x128xbf16>
    %slice3A_340 = vector.extract_strided_slice %convert_element_type3A_276 {offsets = [0, 1, 0], sizes = [32, 255, 128], strides = [1, 1, 1]} : vector<32x256x128xbf16> to vector<32x255x128xbf16>
    %concatenate3A_341 = tpu.concatenate %slice3A_340, %broadcast_in_dim3A_339 in 1 : vector<32x255x128xbf16>, vector<32x1x128xbf16> -> vector<32x256x128xbf16>
    %jit3A_342 = arith.constant 0.000000e+00 : bf16
    %broadcast_in_dim3A_343 = vector.shape_cast %and3A_337 : vector<1x256x1xi1> to vector<1x256x1xi1>
    %broadcast_in_dim3A_344 = vector.broadcast %broadcast_in_dim3A_343 : vector<1x256x1xi1> to vector<32x256x128xi1>
    %broadcast_in_dim3A_345 = vector.broadcast %jit3A_342 : bf16 to vector<32x256x128xbf16>
    %select_n3A_346 = arith.select %broadcast_in_dim3A_344, %concatenate3A_341, %broadcast_in_dim3A_345 : vector<32x256x128xi1>, vector<32x256x128xbf16>
    %swap3A_347 = arith.constant 0 : index
    %swap3A_348 = arith.constant 16 : index
    %swap3A_349 = arith.constant 256 : index
    %swap3A_350 = vector.load %arg6[%swap3A_347, %swap3A_348, %swap3A_349] : memref<32x288x384xbf16, #tpu.memory_space<vmem>>, vector<32x256x128xbf16>
    tpu.vector_store %arg6[%swap3A_347, %swap3A_348, %swap3A_349], %select_n3A_346 {strides = array<i32>} : memref<32x288x384xbf16, #tpu.memory_space<vmem>>, vector<32x256x128xbf16>,
    %get3A_351 = arith.constant 2 : index
    %get3A_352 = arith.constant 0 : index
    %get3A_353 = vector.load %arg4[%get3A_351, %get3A_352] : memref<3x128xf32, #tpu.memory_space<vmem>>, vector<1x128xf32>
    %get3A_354 = vector.shape_cast %get3A_353 : vector<1x128xf32> to vector<128xf32>
    %broadcast_in_dim3A_355 = vector.shape_cast %get3A_354 : vector<128xf32> to vector<1x1x128xf32>
    %get3A_356 = arith.constant 0 : index
    %get3A_357 = arith.constant 0 : index
    %get3A_358 = arith.constant 0 : index
    %get3A_359 = vector.load %arg6[%get3A_356, %get3A_357, %get3A_358] : memref<32x288x384xbf16, #tpu.memory_space<vmem>>, vector<32x256x384xbf16>
    %reshape3A_360 = vector.shape_cast %get3A_359 : vector<32x256x384xbf16> to vector<8192x384xbf16>
    %get3A_361 = arith.constant 2 : index
    %get3A_362 = arith.constant 0 : index
    %get3A_363 = arith.constant 0 : index
    %get3A_364 = arith.constant 0 : index
    %get3A_365 = vector.load %arg3[%get3A_361, %get3A_362, %get3A_363, %get3A_364] : memref<3x3x384x128xbf16, #tpu.memory_space<vmem>>, vector<1x1x384x128xbf16>
    %get3A_366 = vector.shape_cast %get3A_365 : vector<1x1x384x128xbf16> to vector<384x128xbf16>
    %dot_general3A_367 = arith.constant dense<0.000000e+00> : vector<8192x128xf32>
    %dot_general3A_368 = tpu.matmul %reshape3A_360, %get3A_366, %dot_general3A_367 {dimension_numbers = #tpu.dot_dimension_numbers<[1], [0], [0], [1], [0, 0, 1, 1], [], []>, transpose_lhs_hint = false} : vector<8192x384xbf16>, vector<384x128xbf16>, vector<8192x128xf32> -> vector<8192x128xf32>
    %reshape3A_369 = vector.shape_cast %dot_general3A_368 : vector<8192x128xf32> to vector<32x256x128xf32>
    %add3A_370 = vector.broadcast %broadcast_in_dim3A_355 : vector<1x1x128xf32> to vector<32x256x128xf32>
    %add3A_371 = arith.addf %add3A_370, %reshape3A_369 : vector<32x256x128xf32>
    %get3A_372 = arith.constant 0 : index
    %get3A_373 = arith.constant 16 : index
    %get3A_374 = arith.constant 0 : index
    %get3A_375 = vector.load %arg6[%get3A_372, %get3A_373, %get3A_374] : memref<32x288x384xbf16, #tpu.memory_space<vmem>>, vector<32x256x384xbf16>
    %reshape3A_376 = vector.shape_cast %get3A_375 : vector<32x256x384xbf16> to vector<8192x384xbf16>
    %get3A_377 = arith.constant 2 : index
    %get3A_378 = arith.constant 1 : index
    %get3A_379 = arith.constant 0 : index
    %get3A_380 = arith.constant 0 : index
    %get3A_381 = vector.load %arg3[%get3A_377, %get3A_378, %get3A_379, %get3A_380] : memref<3x3x384x128xbf16, #tpu.memory_space<vmem>>, vector<1x1x384x128xbf16>
    %get3A_382 = vector.shape_cast %get3A_381 : vector<1x1x384x128xbf16> to vector<384x128xbf16>
    %dot_general3A_383 = arith.constant dense<0.000000e+00> : vector<8192x128xf32>
    %dot_general3A_384 = tpu.matmul %reshape3A_376, %get3A_382, %dot_general3A_383 {dimension_numbers = #tpu.dot_dimension_numbers<[1], [0], [0], [1], [0, 0, 1, 1], [], []>, transpose_lhs_hint = false} : vector<8192x384xbf16>, vector<384x128xbf16>, vector<8192x128xf32> -> vector<8192x128xf32>
    %reshape3A_385 = vector.shape_cast %dot_general3A_384 : vector<8192x128xf32> to vector<32x256x128xf32>
    %add3A_386 = arith.addf %add3A_371, %reshape3A_385 : vector<32x256x128xf32>
    %get3A_387 = arith.constant 0 : index
    %get3A_388 = arith.constant 32 : index
    %get3A_389 = arith.constant 0 : index
    %get3A_390 = vector.load %arg6[%get3A_387, %get3A_388, %get3A_389] : memref<32x288x384xbf16, #tpu.memory_space<vmem>>, vector<32x256x384xbf16>
    %reshape3A_391 = vector.shape_cast %get3A_390 : vector<32x256x384xbf16> to vector<8192x384xbf16>
    %get3A_392 = arith.constant 2 : index
    %get3A_393 = arith.constant 2 : index
    %get3A_394 = arith.constant 0 : index
    %get3A_395 = arith.constant 0 : index
    %get3A_396 = vector.load %arg3[%get3A_392, %get3A_393, %get3A_394, %get3A_395] : memref<3x3x384x128xbf16, #tpu.memory_space<vmem>>, vector<1x1x384x128xbf16>
    %get3A_397 = vector.shape_cast %get3A_396 : vector<1x1x384x128xbf16> to vector<384x128xbf16>
    %dot_general3A_398 = arith.constant dense<0.000000e+00> : vector<8192x128xf32>
    %dot_general3A_399 = tpu.matmul %reshape3A_391, %get3A_397, %dot_general3A_398 {dimension_numbers = #tpu.dot_dimension_numbers<[1], [0], [0], [1], [0, 0, 1, 1], [], []>, transpose_lhs_hint = false} : vector<8192x384xbf16>, vector<384x128xbf16>, vector<8192x128xf32> -> vector<8192x128xf32>
    %reshape3A_400 = vector.shape_cast %dot_general3A_399 : vector<8192x128xf32> to vector<32x256x128xf32>
    %add3A_401 = arith.addf %add3A_386, %reshape3A_400 : vector<32x256x128xf32>
    %transpose3A_402 = tpu.transpose %add3A_401, [0, 2, 1] : vector<32x256x128xf32> -> vector<32x128x256xf32>
    %get3A_403 = arith.constant 0 : index
    %get3A_404 = arith.constant 0 : index
    %get3A_405 = arith.constant 0 : index
    %get3A_406 = vector.load %arg2[%get3A_403, %get3A_404, %get3A_405] : memref<32x96x256xf32, #tpu.memory_space<vmem>>, vector<32x96x256xf32>
    %slice3A_407 = vector.extract_strided_slice %transpose3A_402 {offsets = [0, 0, 0], sizes = [32, 96, 256], strides = [1, 1, 1]} : vector<32x128x256xf32> to vector<32x96x256xf32>
    %add3A_408 = arith.addf %get3A_406, %slice3A_407 : vector<32x96x256xf32>
    %swap3A_409 = arith.constant 0 : index
    %swap3A_410 = arith.constant 0 : index
    %swap3A_411 = arith.constant 0 : index
    %swap3A_412 = vector.load %arg5[%swap3A_409, %swap3A_410, %swap3A_411] : memref<32x96x256xf32, #tpu.memory_space<vmem>>, vector<32x96x256xf32>
    tpu.vector_store %arg5[%swap3A_409, %swap3A_410, %swap3A_411], %add3A_408 {strides = array<i32>} : memref<32x96x256xf32, #tpu.memory_space<vmem>>, vector<32x96x256xf32>,
    return
  }
  func.func @transform_0(%arg0: i32) -> (i32, i32, i32) {
    %c0_i32 = arith.constant 0 : i32
    %c0_i32_0 = arith.constant 0 : i32
    %c0_i32_1 = arith.constant 0 : i32
    return %arg0, %c0_i32, %c0_i32_0 : i32, i32, i32
  }
  func.func @transform_1(%arg0: i32) -> (i32, i32, i32) {
    %c0_i32 = arith.constant 0 : i32
    %c0_i32_0 = arith.constant 0 : i32
    %c0_i32_1 = arith.constant 0 : i32
    return %arg0, %c0_i32, %c0_i32_0 : i32, i32, i32
  }
  func.func @transform_2(%arg0: i32) -> (i32, i32, i32, i32) {
    %c0_i32 = arith.constant 0 : i32
    %c0_i32_0 = arith.constant 0 : i32
    %c0_i32_1 = arith.constant 0 : i32
    %c0_i32_2 = arith.constant 0 : i32
    %c0_i32_3 = arith.constant 0 : i32
    return %c0_i32, %c0_i32_0, %c0_i32_1, %c0_i32_2 : i32, i32, i32, i32
  }
  func.func @transform_3(%arg0: i32) -> (i32, i32) {
    %c0_i32 = arith.constant 0 : i32
    %c0_i32_0 = arith.constant 0 : i32
    %c0_i32_1 = arith.constant 0 : i32
    return %c0_i32, %c0_i32_0 : i32, i32
  }
  func.func @transform_4(%arg0: i32) -> (i32, i32, i32) {
    %c0_i32 = arith.constant 0 : i32
    %c0_i32_0 = arith.constant 0 : i32
    %c0_i32_1 = arith.constant 0 : i32
    return %arg0, %c0_i32, %c0_i32_0 : i32, i32, i32
  }
}

</mosaic_0001>

<sc_bundles>
// kernel: kernel.4.cloned.1.call-start
scs
__scs_entry_jumppad:
0x0: {  	(pc) =	sbr.rel $0x88, $3  }
0x1: {  	(tag) =	ssettag $0x0;
	lr =	simm.s32 $0x1  }
0x2: {  	[smem:$0x3F98] =	sst lr;
	_ =	strace $0xD0000000  }
0x3: {  	_ = 	snop  }
0x4: {  	_ = 	snop  }
0x5: {  	_ = 	snop  }
0x6: {  	_ = 	snop  }
0x7: {  	_ = 	snop  }
__scs_overlays_trampoline_lowered:
0x8: {  	[smem:$0x3FA7] =	sst s0  }
0x9: {  	[smem:$0x3FA8] =	sst s1  }
0xa: {  	[smem:$0x3FA9] =	sst s2  }
0xb: {  	[smem:$0x3FAA] =	sst s3  }
0xc: {  	[smem:$0x3FAB] =	sst s4  }
0xd: {  	[smem:$0x3FAC] =	sst s5  }
0xe: {  	[smem:$0x3FAD] =	sst s6  }
0xf: {  	[smem:$0x3FAE] =	sst s7  }
0x10: {  	[smem:$0x3FAF] =	sst s8  }
0x11: {  	[smem:$0x3FB0] =	sst s9;
	s0 =	simm.s32 @!p0 $0x0  }
0x12: {  	s1 =	sld [smem:$0x3F96];
	s0 =	simm.s32 @p0 $0x1  }
0x13: {  	[smem:$0x3FB1] =	sst s0;
	s0 =	simm.s32 @!p1 $0x0  }
0x14: {  	s2 =	sld [smem:$0x3F95];
	s0 =	simm.s32 @p1 $0x1  }
0x15: {  	[smem:$0x3FB2] =	sst s0;
	s0 =	simm.s32 @!p2 $0x0  }
0x16: {  	s3 =	sld [smem:$0x3FDB];
	s0 =	simm.s32 @p2 $0x1  }
0x17: {  	s4 =	simm.s32 $0x1BF5;
	[smem:$0x3FB4] =	sst s0  }
0x18: {  	s0 =	sld [smem:$0x3F97];
	_ =	swait.ge [sflag:s4], $0x0  }
0x19: {  	s7 =	sld [smem:$0x3F98]  }
0x1a: {  	s8 =	sadd.s32 $0xFFFFE003, lr  }
0x1b: {  	s9 =	sadd.s32 $0xFFFFFEF7, lr;
	s5 =	simm.s32 $0xFFFFFFFF;
	p2 =	slt.u32 s8, $0xFFFFF086  }
0x1c: {  	p1 =	slt.u32 s9, $0xF7A;
	s5 =	simm.s32 @!p2 $0x0  }
0x1d: {  	s5 =	simm.s32 @p1 $0x1;
	p0 =	seq.s32 s7, s2  }
0x1e: {  	s7 =	smul.u32 @!p0 $0xF7A, s2;
	p2 =	seq.s32 @!p0 s5, $0x0  }
0x1f: {  	s9 =	smul.u32 $0xF7A, s1;
	s8 =	simm.s32 @!p0 $0x1BF5;
	p2 =	por !p2, p0  }
0x20: {  	[sflag:s8] =	ssyncset.s32 @!p0 $0xFFFFF086;
	s6 =	sadd.s32 @!p0 s3, s7;
	s7 =	simm.s32 @!p0 $0x108  }
0x21: {  	s3 =	sadd.s32 s3, s9;
	s6 =	sadd.s32 @!p0 $0x88, s6;
	s7 =	simm.s32 @p2 $0x1082  }
0x22: {  	[simem:s7], [sflag:s8] =	dma.local @!p0 [hbm:s6], $0xF7A  }
0x23: {  	s9 =	sor.u32 $0xD0000000, s2;
	s6 =	simm.s32 $0x108;
	_ =	swait.ge @!p0 [sflag:s8], $0x0  }
0x24: {  	s3 =	sadd.s32 $0x88, s3;
	s6 =	simm.s32 @!p1 $0x1082;
	[sflag:s4] =	ssyncset.s32 $0xFFFFF086  }
0x25: {  	[simem:s6], [sflag:s4] =	dma.local [hbm:s3], $0xF7A  }
0x26: {  	[smem:$0x3F98] =	sst s1;
	(tag) =	ssettag s2;
	_ =	strace s9  }
0x27: {  	s1 =	sld [smem:$0x3FA8]  }
0x28: {  	s2 =	sld [smem:$0x3FA9]  }
0x29: {  	s4 =	sld [smem:$0x3FAB]  }
0x2a: {  	p0 =	seq.s32 s5, $0x0;
	s5 =	sld [smem:$0x3FAC]  }
0x2b: {  	s6 =	sld [smem:$0x3FAD]  }
0x2c: {  	s7 =	sld [smem:$0x3FAE]  }
0x2d: {  	s3 =	simm.s32 $0x108;
	s8 =	sld [smem:$0x3FAF]  }
0x2e: {  	s3 =	simm.s32 @!p0 $0x1082;
	s9 =	sld [smem:$0x3FB0]  }
0x2f: {  	lr =	sadd.s32 s0, s3;
	s0 =	sld [smem:$0x3FA7]  }
0x30: {  	s3 =	sld [smem:$0x3FAA]  }
0x31: {  	[smem:$0x3FB3] =	sst s10  }
0x32: {  	s10 =	sld [smem:$0x3FB1];
	_ =	sdelay $0x3  }
0x33: {  	p0 =	seq.s32 s10, $0x1;
	s10 =	sld [smem:$0x3FB3];
	_ =	sdelay $0x3  }
0x34: {  	[smem:$0x3FB3] =	sst s10  }
0x35: {  	s10 =	sld [smem:$0x3FB2];
	_ =	sdelay $0x3  }
0x36: {  	p1 =	seq.s32 s10, $0x1;
	s10 =	sld [smem:$0x3FB3];
	_ =	sdelay $0x3  }
0x37: {  	[smem:$0x3FB3] =	sst s10  }
0x38: {  	s10 =	sld [smem:$0x3FB4]  }
0x39: {  	_ = 	snop;
	(pc) =	sbr.ind lr, $3  }
0x3a: {  	_ = 	snop  }
0x3b: {  	_ = 	snop  }
0x3c: {  	p2 =	seq.s32 s10, $0x1;
	s10 =	sld [smem:$0x3FB3]  }
0x3d: {  	_ =	shalt  }
0x3e: {  	_ =	shalt  }
0x3f: {  	_ =	shalt  }
0x40: {  	_ =	shalt  }
0x41: {  	_ =	shalt  }
0x42: {  	_ =	shalt  }
0x43: {  	_ =	shalt  }
0x44: {  	_ =	shalt  }
0x45: {  	_ =	shalt  }
0x46: {  	_ =	shalt  }
0x47: {  	_ =	shalt  }
0x48: {  	_ =	shalt  }
0x49: {  	_ =	shalt  }
0x4a: {  	_ =	shalt  }
0x4b: {  	_ =	shalt  }
0x4c: {  	_ =	shalt  }
0x4d: {  	_ =	shalt  }
0x4e: {  	_ =	shalt  }
0x4f: {  	_ =	shalt  }
0x50: {  	_ =	shalt  }
0x51: {  	_ =	shalt  }
0x52: {  	_ =	shalt  }
0x53: {  	_ =	shalt  }
0x54: {  	_ =	shalt  }
0x55: {  	_ =	shalt  }
0x56: {  	_ =	shalt  }
0x57: {  	_ =	shalt  }
0x58: {  	_ =	shalt  }
0x59: {  	_ =	shalt  }
0x5a: {  	_ =	shalt  }
0x5b: {  	_ =	shalt  }
0x5c: {  	_ =	shalt  }
0x5d: {  	_ =	shalt  }
0x5e: {  	_ =	shalt  }
0x5f: {  	_ =	shalt  }
0x60: {  	_ =	shalt  }
0x61: {  	_ =	shalt  }
0x62: {  	_ =	shalt  }
0x63: {  	_ =	shalt  }
0x64: {  	_ =	shalt  }
0x65: {  	_ =	shalt  }
0x66: {  	_ =	shalt  }
0x67: {  	_ =	shalt  }
0x68: {  	_ =	shalt  }
0x69: {  	_ =	shalt  }
0x6a: {  	_ =	shalt  }
0x6b: {  	_ =	shalt  }
0x6c: {  	_ =	shalt  }
0x6d: {  	_ =	shalt  }
0x6e: {  	_ =	shalt  }
0x6f: {  	_ =	shalt  }
0x70: {  	_ =	shalt  }
0x71: {  	_ =	shalt  }
0x72: {  	_ =	shalt  }
0x73: {  	_ =	shalt  }
0x74: {  	_ =	shalt  }
0x75: {  	_ =	shalt  }
0x76: {  	_ =	shalt  }
0x77: {  	_ =	shalt  }
0x78: {  	_ =	shalt  }
0x79: {  	_ =	shalt  }
0x7a: {  	_ =	shalt  }
0x7b: {  	_ =	shalt  }
0x7c: {  	_ =	shalt  }
0x7d: {  	_ =	shalt  }
0x7e: {  	_ =	shalt  }
0x7f: {  	_ =	shalt  }
0x80: {  	_ =	shalt  }
0x81: {  	_ =	shalt  }
0x82: {  	_ =	shalt  }
0x83: {  	_ =	shalt  }
0x84: {  	_ =	shalt  }
0x85: {  	_ =	shalt  }
0x86: {  	_ =	shalt  }
0x87: {  	_ =	shalt  }
.Lfunc_end0:
.L_simem_size_0:
called_computation_lowered:
.L_overlay_start_0:
0x88: {  	s2 =	sld [smem:$0x3FD9]  }
0x89: {  	s3 =	sld [smem:$0x3FFE];
	_ =	sdelay $0x1  }
0x8a: {  	s1 =	srdreg.scid  }
0x8b: {  	s0 =	sand.u32 $0x1, s1  }
0x8c: {  	s16 =	sshll.u32 s0, $0xA;
	s2 =	sadd.s32 s3, s2  }
0x8d: {  	s2 =	sadd.s32 s2, s16  }
0x8e: {  	[smem:$0x3FBF] =	sst s2  }
0x8f: {  	_ = 	snop  }
0x90: {  	(tm) =	ssettm $0x1  }
0x91: {  	s17 =	sld [smem:$0x3FFB];
	_ =	sdelay $0x3  }
0x92: {  	_ =	strace s17  }
0x93: {  	s2 =	sld [smem:$0x3FFC];
	_ =	sdelay $0x3  }
0x94: {  	_ =	strace s2  }
0x95: {  	s2 =	sld [smem:$0x3FFD];
	_ =	sdelay $0x3  }
0x96: {  	_ =	strace s2  }
0x97: {  	_ =	strace $0x8FFFFFFF  }
0x98: {  	s18 =	sld [smem:$0x3FDB];
	_ =	sdelay $0x1  }
0x99: {  	s19 =	simm.s32 $_scs_section_size  }
0x9a: {  	s4 =	simm.s32 $_size__tile_overlayer_lowered;
	s5 =	simm.s32 $_tile_overlayer_lowered  }
0x9b: {  	s22 =	simm.s32 $0x1BFF;
	s21 =	sshll.u32 s5, $0x1;
	s2 =	sadd.s32 s19, s18  }
0x9c: {  	s6 =	simm.s32 $0x0;
	s20 =	sshll.u32 s4, $0x1;
	s4 =	sadd.s32 s21, s2  }
0x9d: {  	[timem:s6], [sflag:s22] =	dma.local [hbm:s4], s20  }
0x9e: {  	_ =	swait.ge [sflag:s22], s20  }
0x9f: {  	s3 =	ssub.s32 $0x0, s20;
	[sflag:s22] =	ssyncset.done $0x0  }
0xa0: {  	[sflag:s22] =	ssyncadd.s32 s3;
	_ =	sdelay $0x1  }
0xa1: {  	s23 =	simm.s32 $0x1B8B  }
0xa2: {  	_ =	swait.ge [sflag:s23], $0x1  }
0xa3: {  	[sflag:s23] =	ssyncset.done $0x0  }
0xa4: {  	s25 =	simm.s32 $0x1B8E;
	s24 =	sld [smem:$0x3FFE];
	[sflag:s23] =	ssyncadd.s32 $0xFFFFFFFF  }
0xa5: {  	s26 =	simm.s32 $execute0_lowered;
	[smem:$0x3FD2] =	sst s25  }
0xa6: {  	s4 =	sshll.u32 s26, $0x1;
	_ =	strace $0x80000046;
	[dreg:$0x1] =	wrdreg $0xFFFFFFFF  }
0xa7: {  	s28 =	simm.s32 $_size_execute0_lowered;
	s2 =	sadd.s32 s2, s4;
	[dreg:$0x0] =	wrdreg $0x0  }
0xa8: {  	s4 =	sshll.u32 s28, $0x1;
	[dreg:$0x2] =	wrdreg s2  }
0xa9: {  	[dreg:$0x3] =	wrdreg s4  }
0xaa: {  	[dreg:$0x4] =	wrdreg $0xC0  }
0xab: {  	_ =	task [dreg:s6], $0x5FFFF  }
0xac: {  	[dreg:$0x1] =	wrdreg $0xFFFFFFFF  }
0xad: {  	[dreg:$0x0] =	wrdreg $0x60  }
0xae: {  	[dreg:$0x2] =	wrdreg s24  }
0xaf: {  	[dreg:$0x3] =	wrdreg $0x9  }
0xb0: {  	_ =	task.clear_ibuf [dreg:s6], $0x4FFFF;
	_ =	strace $0x90000046  }
0xb1: {  	s29 =	simm.s32 $0x9;
	_ =	strace $0x80000048  }
0xb2: {  	_ =	swait.ge [sflag:s29], $0x1  }
0xb3: {  	[sflag:s29] =	ssyncadd.s32 $0xFFFFFFFF  }
0xb4: {  	_ =	strace $0x90000048  }
0xb5: {  	_ =	sfence  }
0xb6: {  	s30 =	sld [smem:$0x0];
	_ =	sdelay $0x2  }
0xb7: {  	s31 =	sshll.u32 s1, $0xD;
	s1 =	sshrl.u32 s1, $0x2  }
0xb8: {  	s3 =	sand.u32 $0x4000, s31;
	s1 =	sadd.s32 s1, s30  }
0xb9: {  	s0 =	sor.u32 s3, s0;
	s1 =	sshll.u32 s1, $0x11  }
0xba: {  	s0 =	sor.u32 s1, s0  }
0xbb: {  	s0 =	sadd.s32 $0x8F2B, s0  }
0xbc: {  	[sflag:s0] =	ssyncadd.remote.s32 $0x1  }
0xbd: {  	_ =	sfence.sel $0xFFFF  }
0xbe: {  	[dreg:$0x0] =	wrdreg $0xFFFFFFFF;
	(pc) =	sbr.abs _section_cstart, $3  }
0xbf: {  	[dreg:$0x1] =	wrdreg $0xFFFFFFFF  }
0xc0: {  	_ =	task.clear_ibuf [dreg:s6], $0x2FFFF;
	_ =	strace $0x9FFFFFFF  }
0xc1: {  	(tm) =	ssettm $0x7FFFFFFF  }
tec
execute0_lowered:
.L_overlay_start_1:
0x0: {  	(tag) =	ssettag $0x1  }
0x1: {  	s1 =	stileid.u32  }
0x2: {  	p0 =	sgt.u32 s1, $0xB  }
.Ltmp0:
0x3: {  	_ = 	snop;
	(pc) =	sbr.rel @p0 .LBB2_3-.Ltmp0, $4  }
0x4: {  	_ = 	snop  }
0x5: {  	s4 =	rddreg [dreg:$0x0];
	s2 =	simm.s32 $0x0  }
0x6: {  	[smem:$0x7FF] =	sst s2  }
0x7: {  	s0 =	rddreg [dreg:$0x1];
	_ =	strace $0x80000047  }
0x8: {  	s5 =	srdreg.scid  }
0x9: {  	s3 =	sadd.s32 $0x2C00, s4;
	s6 =	sshll.u32 s1, $0x1;
	s5 =	sand.u32 $0x1, s5  }
0xa: {  	s7 =	sadd.s32 $0x182C00, s4;
	s8 =	sadd.s32 $0x182E00, s4;
	s30 =	sor.u32 s5, s6  }
0xb: {  	s10 =	ssub.s32 $0x2, s5;
	s6 =	smul.u32 $0x6000, s30;
	s9 =	sshllo.u32 s30, $0x1  }
0xc: {  	s11 =	sshll.u32 s30, $0x1;
	s13 =	sshrl.u32 s10, $0x1;
	s12 =	smul.u32 $0x3000, s9  }
0xd: {  	s5 =	sadd.s32 s7, s9;
	s31 =	ssub.s32 s10, s13;
	s7 =	sadd.s32 s7, s11  }
0xe: {  	s9 =	simm.s32 $0x2;
	s10 =	simm.s32 $0x80;
	s11 =	simm.s32 $0x1  }
0xf: {  	vm0 =	vmmov $0xf;
	v0 =	vlaneseq.u32;
	s4 =	sadd.s32 s8, s6;
	s6 =	sadd.s32 s8, s12;
	s8 =	smax.u32 s31, $0x1  }
.LBB2_2:
0x10: {  	[tilespmem:s2], [sflag:$0x2] =	stream.linear.gather [hbm4b:s7+s2], $0x4, $0x38;
	[tilespmem:$0x18080] =	vst v63  }
0x11: {  	_ =	swait.ge [sflag:s9], $0x4  }
0x12: {  	[sflag:s9] =	ssyncset.done $0x0  }
0x13: {  	[sflag:s9] =	ssyncadd.s32 $0xFFFFFFFC  }
0x14: {  	v1 =	vld.msk [tilespmem:$0x0], $0xf;
	_ =	sdelay $0x4  }
0x15: {  	v1 =	vmul.u32 $0x6000, v1;
	_ =	sdelay $0x1  }
0x16: {  	v1 =	vperm.xlane v1, v0;
	_ =	sdelay $0x5  }
0x17: {  	[tilespmem:s10], [sflag:$0x1] =	stream.indirect_vreg.gather [hbm4b:s3+s2], $0x6000, v1, vm0, $0x38;
	[tilespmem:$0x18080] =	vst v63  }
0x18: {  	_ =	swait.ge [sflag:s11], $0x18000  }
0x19: {  	[sflag:s11] =	ssyncset.done $0x0  }
0x1a: {  	[sflag:s11] =	ssyncadd.s32 $0xFFFE8000  }
0x1b: {  	[hbm4b:s4+s2] =	stream.linear.scatter [tilespmem:s10], [sflag:$0x2], $0x18000, $0x38;
	[tilespmem:$0x18080] =	vst v63  }
0x1c: {  	_ =	swait.ge [sflag:s9], $0x18000  }
0x1d: {  	[sflag:s9] =	ssyncset.done $0x0  }
0x1e: {  	[sflag:s9] =	ssyncadd.s32 $0xFFFE8000  }
0x1f: {  	[tilespmem:s2], [sflag:$0x2] =	stream.linear.gather [hbm4b:s5+s2], $0x4, $0x38;
	[tilespmem:$0x18080] =	vst v63  }
0x20: {  	_ =	swait.ge [sflag:s9], $0x4  }
0x21: {  	[sflag:s9] =	ssyncset.done $0x0  }
0x22: {  	[sflag:s9] =	ssyncadd.s32 $0xFFFFFFFC  }
0x23: {  	v1 =	vld.msk [tilespmem:$0x0], $0xf;
	_ =	sdelay $0x4  }
0x24: {  	v1 =	vmul.u32 $0x6000, v1;
	_ =	sdelay $0x1  }
0x25: {  	v1 =	vperm.xlane v1, v0;
	_ =	sdelay $0x5  }
0x26: {  	[tilespmem:s10], [sflag:$0x1] =	stream.indirect_vreg.gather [hbm4b:s3+s2], $0x6000, v1, vm0, $0x38;
	[tilespmem:$0x18080] =	vst v63  }
0x27: {  	_ =	swait.ge [sflag:s11], $0x18000  }
0x28: {  	p0 =	sne.s32 s8, $0x1;
	[sflag:s11] =	ssyncset.done $0x0  }
.Ltmp1:
0x29: {  	[sflag:s11] =	ssyncadd.s32 $0xFFFE8000;
	(pc) =	sbr.rel @p0 .LBB2_2-.Ltmp1, $4  }
0x2a: {  	[hbm4b:s6+s2] =	stream.linear.scatter [tilespmem:s10], [sflag:$0x2], $0x18000, $0x38;
	[tilespmem:$0x18080] =	vst v63  }
0x2b: {  	_ =	swait.ge [sflag:s9], $0x18000  }
0x2c: {  	[sflag:s9] =	ssyncset.done $0x0  }
0x2d: {  	s8 =	sadd.s32 $0xFFFFFFFF, s8;
	[sflag:s9] =	ssyncadd.s32 $0xFFFE8000  }
.LBB2_3:
0x2e: {  	_ =	sfence.sel $0x180000  }
0x2f: {  	[bflag:$0x0] =	sbarrier.arrive $0xFFFF  }
0x30: {  	p0 =	sne.s32 s1, $0x0;
	_ =	strace $0x90000047  }
0x31: {  	s0 =	sadd.s32 @!p0 $0x100000, s0;
	[bflag:$0x2] =	sbarrier.arrive $0xFFFF  }
0x32: {  	[sflag:s0] =	ssyncadd.tile.s32 @!p0 $0x1;
	_ =	shalt  }
.Lfunc_end2:
_tile_overlayer_lowered:
.L_overlay_start_2:
0x33: {  	(tag) =	ssettag $0x2  }
0x34: {  	s0 =	rddreg [dreg:$0x0];
	s2 =	stileid.u32  }
0x35: {  	s1 =	rddreg [dreg:$0x1];
	p0 =	sne.s32 s2, $0x0  }
0x36: {  	s3 =	rddreg [dreg:$0x2];
	[bflag:$0x3] =	sbarrier.arrive $0xFFFF;
	s2 =	simm.s32 @!p0 $0x1C02  }
0x37: {  	[timem:s3], [sflag:s2] =	dma.local @!p0 [hbm:s0], s1  }
0x38: {  	s0 =	simm.s32 @!p0 $0x2  }
0x39: {  	_ =	swait.ge @!p0 [sflag:s0], s1  }
0x3a: {  	s1 =	ssub.s32 @!p0 $0x0, s1;
	[sflag:s0] =	ssyncset.done @!p0 $0x0  }
0x3b: {  	[sflag:s0] =	ssyncadd.s32 @!p0 s1  }
0x3c: {  	[bflag:$0x3] =	sbarrier.arrive $0xFFFF  }
0x3d: {  	_ =	shalt  }

</sc_bundles>
